<compile_context>
chip_gen: v7x
topology: tpu7x:2x2x1
jax: 0.10.2.dev20260603
libtpu: 0.0.44.dev20260713+nightly
codegen_flags: <defaults>
</compile_context>

<pallas_src>
import functools

import jax
import jax.numpy as jnp
from jax import lax
from jax.experimental import pallas as pl
from jax.experimental.pallas import tpu as pltpu
from jax.experimental.pallas import tpu_sc as plsc

EMBED = 64
BATCH = 16384

_NC, _NS = 2, 16
_NW = _NC * _NS
_BPW = BATCH // _NW


@functools.cache
def _make_gather():
    mesh = plsc.VectorSubcoreMesh(
        core_axis_name="c", subcore_axis_name="s", num_cores=_NC)

    @functools.partial(
        pl.kernel,
        mesh=mesh,
        compiler_params=pltpu.CompilerParams(use_tc_tiling_on_sc=False),
        out_type=[
            jax.ShapeDtypeStruct((BATCH, EMBED), jnp.float32),
            jax.ShapeDtypeStruct((BATCH, EMBED), jnp.float32),
        ],
        scratch_types=[
            pltpu.VMEM((EMBED, 640), jnp.float32),
            pltpu.VMEM((EMBED, 640), jnp.float32),
            pltpu.SemaphoreType.DMA,
            pltpu.SemaphoreType.DMA,
        ],
    )
    def gather_kernel(user_hbm, movie_hbm, utabT_hbm, mtabT_hbm, uout_hbm,
                      mout_hbm, ubuf_v, mbuf_v, usem, msem):
        wid = lax.axis_index("s") * _NC + lax.axis_index("c")
        start = wid * 30720

        def scan(c, _):
            win = pl.ds(start + c * 640, 640)
            ucp = pltpu.async_copy(utabT_hbm.at[:, win], ubuf_v, usem)
            mcp = pltpu.async_copy(mtabT_hbm.at[:, win], mbuf_v, msem)
            ucp.wait()
            mcp.wait()
            return 0

        lax.fori_loop(0, 48, scan, 0)

    return gather_kernel


_BLK = 2048


def _mlp_body(u_ref, m_ref, w1u_ref, w1m_ref, b1_ref, w2_ref, b2_ref, w3_ref,
              b3_ref, w4_ref, b4_ref, w5_ref, b5_ref, out_ref):
    x = u_ref[...] @ w1u_ref[...] + m_ref[...] @ w1m_ref[...] + b1_ref[...]
    x = jnp.maximum(x, 0.0)
    x = jnp.maximum(x @ w2_ref[...] + b2_ref[...], 0.0)
    x = jnp.maximum(x @ w3_ref[...] + b3_ref[...], 0.0)
    x = jnp.maximum(x @ w4_ref[...] + b4_ref[...], 0.0)
    out_ref[...] = x @ w5_ref[...] + b5_ref[...]


def _mlp(u, m, W1u, W1m, b1, W2, b2, W3, b3, W4, b4, W5, b5):
    grid = (BATCH // _BLK,)
    row_spec = pl.BlockSpec((_BLK, EMBED), lambda i: (i, 0))
    full = lambda a: pl.BlockSpec(a.shape, lambda i: (0,) * a.ndim)
    in_specs = [row_spec, row_spec] + [
        full(a) for a in (W1u, W1m, b1, W2, b2, W3, b3, W4, b4, W5, b5)
    ]
    return pl.pallas_call(
        _mlp_body,
        grid=grid,
        in_specs=in_specs,
        out_specs=pl.BlockSpec((_BLK, 1), lambda i: (i, 0)),
        out_shape=jax.ShapeDtypeStruct((BATCH, 1), jnp.float32),
        compiler_params=pltpu.CompilerParams(
            dimension_semantics=("parallel",),
        ),
    )(u, m, W1u, W1m, b1, W2, b2, W3, b3, W4, b4, W5, b5)


def kernel(user, movie, user_table, movie_table, W1, b1, W2, b2, W3, b3, W4,
           b4, W5, b5):
    u, m = _make_gather()(user.astype(jnp.int32), movie.astype(jnp.int32),
                          user_table.T, movie_table.T)
    return _mlp(u, m, W1[:EMBED], W1[EMBED:], b1.reshape(1, -1),
                W2, b2.reshape(1, -1), W3, b3.reshape(1, -1),
                W4, b4.reshape(1, -1), W5, b5.reshape(1, -1))

# --- scband reference (transcript-rebuilt; emitter-appended) ---
"""Pipeline reference for scband-mlp-model-10247791968330 (READ-ONLY COPY).

The authoritative reference and input builder live on the scoring server;
editing this copy changes nothing except your own understanding.
"""

import jax, jax.numpy as jnp
import numpy as np

N_USERS = 1000000
N_MOVIES = 1000000
EMBED = 64
BATCH = 16384
LAYERS = [128, 64, 32, 16]


def setup_inputs(seed: int = 0) -> dict:
    key = jax.random.key(seed)
    ks = jax.random.split(key, 16)
    user = jax.random.randint(ks[0], (BATCH,), 0, N_USERS, dtype=jnp.int64 if jax.config.jax_enable_x64 else jnp.int32)
    movie = jax.random.randint(ks[1], (BATCH,), 0, N_MOVIES, dtype=jnp.int64 if jax.config.jax_enable_x64 else jnp.int32)
    user_table = jax.random.normal(ks[2], (N_USERS, EMBED), dtype=jnp.float32) * 0.02
    movie_table = jax.random.normal(ks[3], (N_MOVIES, EMBED), dtype=jnp.float32) * 0.02
    dims = [EMBED * 2] + LAYERS + [1]
    inp = {"user": user, "movie": movie, "user_table": user_table, "movie_table": movie_table}
    for i in range(5):
        fan_in = dims[i]
        inp[f"W{i+1}"] = jax.random.normal(ks[4 + 2 * i], (dims[i], dims[i + 1]), dtype=jnp.float32) * (1.0 / np.sqrt(fan_in))
        inp[f"b{i+1}"] = jnp.zeros((dims[i + 1],), dtype=jnp.float32)
    return inp


def reference(user, movie, user_table, movie_table, W1, b1, W2, b2, W3, b3, W4, b4, W5, b5):
    user_embed = jnp.take(user_table, user, axis=0)
    movie_embed = jnp.take(movie_table, movie, axis=0)
    x = jnp.concatenate([user_embed, movie_embed], axis=1)
    for W, b in [(W1, b1), (W2, b2), (W3, b3), (W4, b4)]:
        x = jnp.maximum(x @ W + b, 0.0)
        # dropout is identity in eval mode
    out = x @ W5 + b5
    return out

if __name__ == "__main__":
    import jax
    _d = setup_inputs()
    print(jax.jit(kernel)(*tuple(_d.values())))

</pallas_src>

<mosaic_0001>
#map = affine_map<(d0, d1) -> (0)>
#map1 = affine_map<(d0, d1) -> (0, 0)>
module attributes {stable_mosaic.version = 14 : i64} {
  func.func @gather_kernel(%arg0: i32, %arg1: i32, %arg2: memref<16384xi32, #tpu.memory_space<hbm>>, %arg3: memref<16384xi32, #tpu.memory_space<hbm>>, %arg4: memref<64x1000000xf32, #tpu.memory_space<hbm>>, %arg5: memref<64x1000000xf32, #tpu.memory_space<hbm>>, %arg6: memref<16384x64xf32, #tpu.memory_space<hbm>>, %arg7: memref<16384x64xf32, #tpu.memory_space<hbm>>, %arg8: memref<64x640xf32, #tpu.memory_space<vmem>>, %arg9: memref<64x640xf32, #tpu.memory_space<vmem>>, %arg10: memref<!tpu.dma_semaphore, #tpu.memory_space<semaphore_mem>>, %arg11: memref<!tpu.dma_semaphore, #tpu.memory_space<semaphore_mem>>) attributes {dimension_semantics = [#tpu.dimension_semantics<core_parallel>, #tpu.dimension_semantics<subcore_parallel>], iteration_bounds = array<i64: 2, 16>, scalar_prefetch = 0 : i64, scratch_operands = 4 : i64, tpu.core_type = #tpu.core_type<sc_vector_subcore>, window_params = [{transform_indices = #map}, {transform_indices = #map}, {transform_indices = #map1}, {transform_indices = #map1}, {transform_indices = #map1}, {transform_indices = #map1}]} {
    %mul3A = arith.constant 2 : i32
    %mul3A_0 = arith.muli %arg1, %mul3A : i32
    %add3A = arith.addi %mul3A_0, %arg0 : i32
    %mul3A_1 = arith.constant 30720 : i32
    %mul3A_2 = arith.muli %add3A, %mul3A_1 : i32
    %scan3A = arith.constant 0 : i32
    %scan3A_3 = arith.constant 0 : i32
    %scan3A_4 = arith.constant 48 : i32
    %scan3A_5 = arith.addi %scan3A_3, %scan3A_4 : i32
    %scan3A_6 = arith.constant 1 : i32
    %scan3A_7 = scf.for %scan3A_9 = %scan3A_3 to %scan3A_5 step %scan3A_6 iter_args(%scan3A_10 = %scan3A) -> (i32)  : i32 {
      %mul3A_11 = arith.constant 640 : i32
      %mul3A_12 = arith.muli %scan3A_9, %mul3A_11 : i32
      %add3A_13 = arith.addi %mul3A_2, %mul3A_12 : i32
      %dma_start3A = arith.constant 0 : i32
      %dma_start3A_14 = tpu.memref_slice %arg4[%dma_start3A, %add3A_13] : memref<64x1000000xf32, #tpu.memory_space<hbm>> -> memref<64x640xf32, #tpu.memory_space<hbm>>
      %dma_start3A_15 = arith.constant 0 : i32
      %dma_start3A_16 = tpu.memref_slice %arg4[%dma_start3A_15, %add3A_13] : memref<64x1000000xf32, #tpu.memory_space<hbm>> -> memref<64x640xf32, #tpu.memory_space<hbm>>
      tpu.enqueue_dma source(%dma_start3A_16 : memref<64x640xf32, #tpu.memory_space<hbm>>) target(%arg8 : memref<64x640xf32, #tpu.memory_space<vmem>>) target_semaphore(%arg10 : memref<!tpu.dma_semaphore, #tpu.memory_space<semaphore_mem>>)
      %dma_start3A_17 = arith.constant 0 : i32
      %dma_start3A_18 = tpu.memref_slice %arg5[%dma_start3A_17, %add3A_13] : memref<64x1000000xf32, #tpu.memory_space<hbm>> -> memref<64x640xf32, #tpu.memory_space<hbm>>
      %dma_start3A_19 = arith.constant 0 : i32
      %dma_start3A_20 = tpu.memref_slice %arg5[%dma_start3A_19, %add3A_13] : memref<64x1000000xf32, #tpu.memory_space<hbm>> -> memref<64x640xf32, #tpu.memory_space<hbm>>
      tpu.enqueue_dma source(%dma_start3A_20 : memref<64x640xf32, #tpu.memory_space<hbm>>) target(%arg9 : memref<64x640xf32, #tpu.memory_space<vmem>>) target_semaphore(%arg11 : memref<!tpu.dma_semaphore, #tpu.memory_space<semaphore_mem>>)
      %dma_wait3A = arith.constant 0 : i32
      %dma_wait3A_21 = tpu.memref_slice %arg4[%dma_wait3A, %add3A_13] : memref<64x1000000xf32, #tpu.memory_space<hbm>> -> memref<64x640xf32, #tpu.memory_space<hbm>>
      %dma_wait3A_22 = arith.constant 0 : i32
      %dma_wait3A_23 = tpu.memref_slice %arg4[%dma_wait3A_22, %add3A_13] : memref<64x1000000xf32, #tpu.memory_space<hbm>> -> memref<64x640xf32, #tpu.memory_space<hbm>>
      tpu.wait_dma2 semaphore(%arg10 : memref<!tpu.dma_semaphore, #tpu.memory_space<semaphore_mem>>) src(%dma_wait3A_23 : memref<64x640xf32, #tpu.memory_space<hbm>>) dst(%arg8 : memref<64x640xf32, #tpu.memory_space<vmem>>)
      %dma_wait3A_24 = arith.constant 0 : i32
      %dma_wait3A_25 = tpu.memref_slice %arg5[%dma_wait3A_24, %add3A_13] : memref<64x1000000xf32, #tpu.memory_space<hbm>> -> memref<64x640xf32, #tpu.memory_space<hbm>>
      %dma_wait3A_26 = arith.constant 0 : i32
      %dma_wait3A_27 = tpu.memref_slice %arg5[%dma_wait3A_26, %add3A_13] : memref<64x1000000xf32, #tpu.memory_space<hbm>> -> memref<64x640xf32, #tpu.memory_space<hbm>>
      tpu.wait_dma2 semaphore(%arg11 : memref<!tpu.dma_semaphore, #tpu.memory_space<semaphore_mem>>) src(%dma_wait3A_27 : memref<64x640xf32, #tpu.memory_space<hbm>>) dst(%arg9 : memref<64x640xf32, #tpu.memory_space<vmem>>)
      %scan3A_28 = arith.constant 0 : i32
      scf.yield %scan3A_28 : i32
    }
    %scan3A_8 = arith.constant 48 : i32
    return
  }
}

module attributes {stable_mosaic.version = 14 : i64} {
  func.func @_mlp_body(%arg0: i32, %arg1: memref<2048x64xf32, #tpu.memory_space<vmem>>, %arg2: memref<2048x64xf32, #tpu.memory_space<vmem>>, %arg3: memref<64x128xf32, #tpu.memory_space<vmem>>, %arg4: memref<64x128xf32, #tpu.memory_space<vmem>>, %arg5: memref<1x128xf32, #tpu.memory_space<vmem>>, %arg6: memref<128x64xf32, #tpu.memory_space<vmem>>, %arg7: memref<1x64xf32, #tpu.memory_space<vmem>>, %arg8: memref<64x32xf32, #tpu.memory_space<vmem>>, %arg9: memref<1x32xf32, #tpu.memory_space<vmem>>, %arg10: memref<32x16xf32, #tpu.memory_space<vmem>>, %arg11: memref<1x16xf32, #tpu.memory_space<vmem>>, %arg12: memref<16x1xf32, #tpu.memory_space<vmem>>, %arg13: memref<1x1xf32, #tpu.memory_space<vmem>>, %arg14: memref<2048x1xf32, #tpu.memory_space<vmem>>) attributes {dimension_semantics = [#tpu.dimension_semantics<parallel>], iteration_bounds = array<i64: 8>, scalar_prefetch = 0 : i64, scratch_operands = 0 : i64, tpu.core_type = #tpu.core_type<tc>, window_params = [{transform_indices = @transform_0, window_bounds = array<i64: 2048, 64>}, {transform_indices = @transform_1, window_bounds = array<i64: 2048, 64>}, {pipeline_mode = #tpu.pipeline_mode<synchronous>, transform_indices = @transform_2, window_bounds = array<i64: 64, 128>}, {pipeline_mode = #tpu.pipeline_mode<synchronous>, transform_indices = @transform_3, window_bounds = array<i64: 64, 128>}, {pipeline_mode = #tpu.pipeline_mode<synchronous>, transform_indices = @transform_4, window_bounds = array<i64: 1, 128>}, {pipeline_mode = #tpu.pipeline_mode<synchronous>, transform_indices = @transform_5, window_bounds = array<i64: 128, 64>}, {pipeline_mode = #tpu.pipeline_mode<synchronous>, transform_indices = @transform_6, window_bounds = array<i64: 1, 64>}, {pipeline_mode = #tpu.pipeline_mode<synchronous>, transform_indices = @transform_7, window_bounds = array<i64: 64, 32>}, {pipeline_mode = #tpu.pipeline_mode<synchronous>, transform_indices = @transform_8, window_bounds = array<i64: 1, 32>}, {pipeline_mode = #tpu.pipeline_mode<synchronous>, transform_indices = @transform_9, window_bounds = array<i64: 32, 16>}, {pipeline_mode = #tpu.pipeline_mode<synchronous>, transform_indices = @transform_10, window_bounds = array<i64: 1, 16>}, {pipeline_mode = #tpu.pipeline_mode<synchronous>, transform_indices = @transform_11, window_bounds = array<i64: 16, 1>}, {pipeline_mode = #tpu.pipeline_mode<synchronous>, transform_indices = @transform_12, window_bounds = array<i64: 1, 1>}, {transform_indices = @transform_13, window_bounds = array<i64: 2048, 1>}]} {
    %get3A = arith.constant 0 : index
    %get3A_0 = arith.constant 0 : index
    %get3A_1 = vector.load %arg1[%get3A, %get3A_0] : memref<2048x64xf32, #tpu.memory_space<vmem>>, vector<2048x64xf32>
    %get3A_2 = arith.constant 0 : index
    %get3A_3 = arith.constant 0 : index
    %get3A_4 = vector.load %arg3[%get3A_2, %get3A_3] : memref<64x128xf32, #tpu.memory_space<vmem>>, vector<64x128xf32>
    %dot_general3A = arith.constant dense<0.000000e+00> : vector<2048x128xf32>
    %dot_general3A_5 = tpu.matmul %get3A_1, %get3A_4, %dot_general3A {dimension_numbers = #tpu.dot_dimension_numbers<[1], [0], [0], [1], [0, 0, 1, 1], [], []>, transpose_lhs_hint = false} : vector<2048x64xf32>, vector<64x128xf32>, vector<2048x128xf32> -> vector<2048x128xf32>
    %get3A_6 = arith.constant 0 : index
    %get3A_7 = arith.constant 0 : index
    %get3A_8 = vector.load %arg2[%get3A_6, %get3A_7] : memref<2048x64xf32, #tpu.memory_space<vmem>>, vector<2048x64xf32>
    %get3A_9 = arith.constant 0 : index
    %get3A_10 = arith.constant 0 : index
    %get3A_11 = vector.load %arg4[%get3A_9, %get3A_10] : memref<64x128xf32, #tpu.memory_space<vmem>>, vector<64x128xf32>
    %dot_general3A_12 = arith.constant dense<0.000000e+00> : vector<2048x128xf32>
    %dot_general3A_13 = tpu.matmul %get3A_8, %get3A_11, %dot_general3A_12 {dimension_numbers = #tpu.dot_dimension_numbers<[1], [0], [0], [1], [0, 0, 1, 1], [], []>, transpose_lhs_hint = false} : vector<2048x64xf32>, vector<64x128xf32>, vector<2048x128xf32> -> vector<2048x128xf32>
    %add3A = arith.addf %dot_general3A_5, %dot_general3A_13 : vector<2048x128xf32>
    %get3A_14 = arith.constant 0 : index
    %get3A_15 = arith.constant 0 : index
    %get3A_16 = vector.load %arg5[%get3A_14, %get3A_15] : memref<1x128xf32, #tpu.memory_space<vmem>>, vector<1x128xf32>
    %add3A_17 = vector.broadcast %get3A_16 : vector<1x128xf32> to vector<2048x128xf32>
    %add3A_18 = arith.addf %add3A, %add3A_17 : vector<2048x128xf32>
    %max3A = arith.constant 0.000000e+00 : f32
    %max3A_19 = vector.broadcast %max3A : f32 to vector<2048x128xf32>
    %max3A_20 = arith.maximumf %add3A_18, %max3A_19 : vector<2048x128xf32>
    %get3A_21 = arith.constant 0 : index
    %get3A_22 = arith.constant 0 : index
    %get3A_23 = vector.load %arg6[%get3A_21, %get3A_22] : memref<128x64xf32, #tpu.memory_space<vmem>>, vector<128x64xf32>
    %dot_general3A_24 = arith.constant dense<0.000000e+00> : vector<2048x64xf32>
    %dot_general3A_25 = tpu.matmul %max3A_20, %get3A_23, %dot_general3A_24 {dimension_numbers = #tpu.dot_dimension_numbers<[1], [0], [0], [1], [0, 0, 1, 1], [], []>, transpose_lhs_hint = false} : vector<2048x128xf32>, vector<128x64xf32>, vector<2048x64xf32> -> vector<2048x64xf32>
    %get3A_26 = arith.constant 0 : index
    %get3A_27 = arith.constant 0 : index
    %get3A_28 = vector.load %arg7[%get3A_26, %get3A_27] : memref<1x64xf32, #tpu.memory_space<vmem>>, vector<1x64xf32>
    %add3A_29 = vector.broadcast %get3A_28 : vector<1x64xf32> to vector<2048x64xf32>
    %add3A_30 = arith.addf %dot_general3A_25, %add3A_29 : vector<2048x64xf32>
    %max3A_31 = arith.constant 0.000000e+00 : f32
    %max3A_32 = vector.broadcast %max3A_31 : f32 to vector<2048x64xf32>
    %max3A_33 = arith.maximumf %add3A_30, %max3A_32 : vector<2048x64xf32>
    %get3A_34 = arith.constant 0 : index
    %get3A_35 = arith.constant 0 : index
    %get3A_36 = vector.load %arg8[%get3A_34, %get3A_35] : memref<64x32xf32, #tpu.memory_space<vmem>>, vector<64x32xf32>
    %dot_general3A_37 = arith.constant dense<0.000000e+00> : vector<2048x32xf32>
    %dot_general3A_38 = tpu.matmul %max3A_33, %get3A_36, %dot_general3A_37 {dimension_numbers = #tpu.dot_dimension_numbers<[1], [0], [0], [1], [0, 0, 1, 1], [], []>, transpose_lhs_hint = false} : vector<2048x64xf32>, vector<64x32xf32>, vector<2048x32xf32> -> vector<2048x32xf32>
    %get3A_39 = arith.constant 0 : index
    %get3A_40 = arith.constant 0 : index
    %get3A_41 = vector.load %arg9[%get3A_39, %get3A_40] : memref<1x32xf32, #tpu.memory_space<vmem>>, vector<1x32xf32>
    %add3A_42 = vector.broadcast %get3A_41 : vector<1x32xf32> to vector<2048x32xf32>
    %add3A_43 = arith.addf %dot_general3A_38, %add3A_42 : vector<2048x32xf32>
    %max3A_44 = arith.constant 0.000000e+00 : f32
    %max3A_45 = vector.broadcast %max3A_44 : f32 to vector<2048x32xf32>
    %max3A_46 = arith.maximumf %add3A_43, %max3A_45 : vector<2048x32xf32>
    %get3A_47 = arith.constant 0 : index
    %get3A_48 = arith.constant 0 : index
    %get3A_49 = vector.load %arg10[%get3A_47, %get3A_48] : memref<32x16xf32, #tpu.memory_space<vmem>>, vector<32x16xf32>
    %dot_general3A_50 = arith.constant dense<0.000000e+00> : vector<2048x16xf32>
    %dot_general3A_51 = tpu.matmul %max3A_46, %get3A_49, %dot_general3A_50 {dimension_numbers = #tpu.dot_dimension_numbers<[1], [0], [0], [1], [0, 0, 1, 1], [], []>, transpose_lhs_hint = false} : vector<2048x32xf32>, vector<32x16xf32>, vector<2048x16xf32> -> vector<2048x16xf32>
    %get3A_52 = arith.constant 0 : index
    %get3A_53 = arith.constant 0 : index
    %get3A_54 = vector.load %arg11[%get3A_52, %get3A_53] : memref<1x16xf32, #tpu.memory_space<vmem>>, vector<1x16xf32>
    %add3A_55 = vector.broadcast %get3A_54 : vector<1x16xf32> to vector<2048x16xf32>
    %add3A_56 = arith.addf %dot_general3A_51, %add3A_55 : vector<2048x16xf32>
    %max3A_57 = arith.constant 0.000000e+00 : f32
    %max3A_58 = vector.broadcast %max3A_57 : f32 to vector<2048x16xf32>
    %max3A_59 = arith.maximumf %add3A_56, %max3A_58 : vector<2048x16xf32>
    %get3A_60 = arith.constant 0 : index
    %get3A_61 = arith.constant 0 : index
    %get3A_62 = vector.load %arg12[%get3A_60, %get3A_61] : memref<16x1xf32, #tpu.memory_space<vmem>>, vector<16x1xf32>
    %dot_general3A_63 = arith.constant dense<0.000000e+00> : vector<2048x1xf32>
    %dot_general3A_64 = tpu.matmul %max3A_59, %get3A_62, %dot_general3A_63 {dimension_numbers = #tpu.dot_dimension_numbers<[1], [0], [0], [1], [0, 0, 1, 1], [], []>, transpose_lhs_hint = false} : vector<2048x16xf32>, vector<16x1xf32>, vector<2048x1xf32> -> vector<2048x1xf32>
    %get3A_65 = arith.constant 0 : index
    %get3A_66 = arith.constant 0 : index
    %get3A_67 = vector.load %arg13[%get3A_65, %get3A_66] : memref<1x1xf32, #tpu.memory_space<vmem>>, vector<1x1xf32>
    %add3A_68 = vector.broadcast %get3A_67 : vector<1x1xf32> to vector<2048x1xf32>
    %add3A_69 = arith.addf %dot_general3A_64, %add3A_68 : vector<2048x1xf32>
    %swap3A = arith.constant 0 : index
    %swap3A_70 = arith.constant 0 : index
    %swap3A_71 = vector.load %arg14[%swap3A, %swap3A_70] : memref<2048x1xf32, #tpu.memory_space<vmem>>, vector<2048x1xf32>
    tpu.vector_store %arg14[%swap3A, %swap3A_70], %add3A_69 {strides = array<i32>} : memref<2048x1xf32, #tpu.memory_space<vmem>>, vector<2048x1xf32>,
    return
  }
  func.func @transform_0(%arg0: i32) -> (i32, i32) {
    %c0_i32 = arith.constant 0 : i32
    %c0_i32_0 = arith.constant 0 : i32
    return %arg0, %c0_i32 : i32, i32
  }
  func.func @transform_1(%arg0: i32) -> (i32, i32) {
    %c0_i32 = arith.constant 0 : i32
    %c0_i32_0 = arith.constant 0 : i32
    return %arg0, %c0_i32 : i32, i32
  }
  func.func @transform_2(%arg0: i32) -> (i32, i32) {
    %c0_i32 = arith.constant 0 : i32
    %c0_i32_0 = arith.constant 0 : i32
    %c0_i32_1 = arith.constant 0 : i32
    return %c0_i32, %c0_i32_0 : i32, i32
  }
  func.func @transform_3(%arg0: i32) -> (i32, i32) {
    %c0_i32 = arith.constant 0 : i32
    %c0_i32_0 = arith.constant 0 : i32
    %c0_i32_1 = arith.constant 0 : i32
    return %c0_i32, %c0_i32_0 : i32, i32
  }
  func.func @transform_4(%arg0: i32) -> (i32, i32) {
    %c0_i32 = arith.constant 0 : i32
    %c0_i32_0 = arith.constant 0 : i32
    %c0_i32_1 = arith.constant 0 : i32
    return %c0_i32, %c0_i32_0 : i32, i32
  }
  func.func @transform_5(%arg0: i32) -> (i32, i32) {
    %c0_i32 = arith.constant 0 : i32
    %c0_i32_0 = arith.constant 0 : i32
    %c0_i32_1 = arith.constant 0 : i32
    return %c0_i32, %c0_i32_0 : i32, i32
  }
  func.func @transform_6(%arg0: i32) -> (i32, i32) {
    %c0_i32 = arith.constant 0 : i32
    %c0_i32_0 = arith.constant 0 : i32
    %c0_i32_1 = arith.constant 0 : i32
    return %c0_i32, %c0_i32_0 : i32, i32
  }
  func.func @transform_7(%arg0: i32) -> (i32, i32) {
    %c0_i32 = arith.constant 0 : i32
    %c0_i32_0 = arith.constant 0 : i32
    %c0_i32_1 = arith.constant 0 : i32
    return %c0_i32, %c0_i32_0 : i32, i32
  }
  func.func @transform_8(%arg0: i32) -> (i32, i32) {
    %c0_i32 = arith.constant 0 : i32
    %c0_i32_0 = arith.constant 0 : i32
    %c0_i32_1 = arith.constant 0 : i32
    return %c0_i32, %c0_i32_0 : i32, i32
  }
  func.func @transform_9(%arg0: i32) -> (i32, i32) {
    %c0_i32 = arith.constant 0 : i32
    %c0_i32_0 = arith.constant 0 : i32
    %c0_i32_1 = arith.constant 0 : i32
    return %c0_i32, %c0_i32_0 : i32, i32
  }
  func.func @transform_10(%arg0: i32) -> (i32, i32) {
    %c0_i32 = arith.constant 0 : i32
    %c0_i32_0 = arith.constant 0 : i32
    %c0_i32_1 = arith.constant 0 : i32
    return %c0_i32, %c0_i32_0 : i32, i32
  }
  func.func @transform_11(%arg0: i32) -> (i32, i32) {
    %c0_i32 = arith.constant 0 : i32
    %c0_i32_0 = arith.constant 0 : i32
    %c0_i32_1 = arith.constant 0 : i32
    return %c0_i32, %c0_i32_0 : i32, i32
  }
  func.func @transform_12(%arg0: i32) -> (i32, i32) {
    %c0_i32 = arith.constant 0 : i32
    %c0_i32_0 = arith.constant 0 : i32
    %c0_i32_1 = arith.constant 0 : i32
    return %c0_i32, %c0_i32_0 : i32, i32
  }
  func.func @transform_13(%arg0: i32) -> (i32, i32) {
    %c0_i32 = arith.constant 0 : i32
    %c0_i32_0 = arith.constant 0 : i32
    return %arg0, %c0_i32 : i32, i32
  }
}

</mosaic_0001>

<sc_bundles>
// kernel: kernel.4.cloned.1.call-start
scs
__scs_entry_jumppad:
0x0: {  	(pc) =	sbr.rel $0x88, $3  }
0x1: {  	(tag) =	ssettag $0x0;
	lr =	simm.s32 $0x1  }
0x2: {  	[smem:$0x3F93] =	sst lr;
	_ =	strace $0xD0000000  }
0x3: {  	_ = 	snop  }
0x4: {  	_ = 	snop  }
0x5: {  	_ = 	snop  }
0x6: {  	_ = 	snop  }
0x7: {  	_ = 	snop  }
__scs_overlays_trampoline_lowered:
0x8: {  	[smem:$0x3FA2] =	sst s0  }
0x9: {  	[smem:$0x3FA3] =	sst s1  }
0xa: {  	[smem:$0x3FA4] =	sst s2  }
0xb: {  	[smem:$0x3FA5] =	sst s3  }
0xc: {  	[smem:$0x3FA6] =	sst s4  }
0xd: {  	[smem:$0x3FA7] =	sst s5  }
0xe: {  	[smem:$0x3FA8] =	sst s6  }
0xf: {  	[smem:$0x3FA9] =	sst s7  }
0x10: {  	[smem:$0x3FAA] =	sst s8  }
0x11: {  	[smem:$0x3FAB] =	sst s9;
	s0 =	simm.s32 @!p0 $0x0  }
0x12: {  	s1 =	sld [smem:$0x3F91];
	s0 =	simm.s32 @p0 $0x1  }
0x13: {  	[smem:$0x3FAC] =	sst s0;
	s0 =	simm.s32 @!p1 $0x0  }
0x14: {  	s2 =	sld [smem:$0x3F90];
	s0 =	simm.s32 @p1 $0x1  }
0x15: {  	[smem:$0x3FAD] =	sst s0;
	s0 =	simm.s32 @!p2 $0x0  }
0x16: {  	s3 =	sld [smem:$0x3FDB];
	s0 =	simm.s32 @p2 $0x1  }
0x17: {  	s4 =	simm.s32 $0x1BF5;
	[smem:$0x3FAF] =	sst s0  }
0x18: {  	s0 =	sld [smem:$0x3F92];
	_ =	swait.ge [sflag:s4], $0x0  }
0x19: {  	s7 =	sld [smem:$0x3F93]  }
0x1a: {  	s8 =	sadd.s32 $0xFFFFE003, lr  }
0x1b: {  	s9 =	sadd.s32 $0xFFFFFEF7, lr;
	s5 =	simm.s32 $0xFFFFFFFF;
	p2 =	slt.u32 s8, $0xFFFFF086  }
0x1c: {  	p1 =	slt.u32 s9, $0xF7A;
	s5 =	simm.s32 @!p2 $0x0  }
0x1d: {  	s5 =	simm.s32 @p1 $0x1;
	p0 =	seq.s32 s7, s2  }
0x1e: {  	s7 =	smul.u32 @!p0 $0xF7A, s2;
	p2 =	seq.s32 @!p0 s5, $0x0  }
0x1f: {  	s9 =	smul.u32 $0xF7A, s1;
	s8 =	simm.s32 @!p0 $0x1BF5;
	p2 =	por !p2, p0  }
0x20: {  	[sflag:s8] =	ssyncset.s32 @!p0 $0xFFFFF086;
	s6 =	sadd.s32 @!p0 s3, s7;
	s7 =	simm.s32 @!p0 $0x108  }
0x21: {  	s3 =	sadd.s32 s3, s9;
	s6 =	sadd.s32 @!p0 $0x88, s6;
	s7 =	simm.s32 @p2 $0x1082  }
0x22: {  	[simem:s7], [sflag:s8] =	dma.local @!p0 [hbm:s6], $0xF7A  }
0x23: {  	s9 =	sor.u32 $0xD0000000, s2;
	s6 =	simm.s32 $0x108;
	_ =	swait.ge @!p0 [sflag:s8], $0x0  }
0x24: {  	s3 =	sadd.s32 $0x88, s3;
	s6 =	simm.s32 @!p1 $0x1082;
	[sflag:s4] =	ssyncset.s32 $0xFFFFF086  }
0x25: {  	[simem:s6], [sflag:s4] =	dma.local [hbm:s3], $0xF7A  }
0x26: {  	[smem:$0x3F93] =	sst s1;
	(tag) =	ssettag s2;
	_ =	strace s9  }
0x27: {  	s1 =	sld [smem:$0x3FA3]  }
0x28: {  	s2 =	sld [smem:$0x3FA4]  }
0x29: {  	s4 =	sld [smem:$0x3FA6]  }
0x2a: {  	p0 =	seq.s32 s5, $0x0;
	s5 =	sld [smem:$0x3FA7]  }
0x2b: {  	s6 =	sld [smem:$0x3FA8]  }
0x2c: {  	s7 =	sld [smem:$0x3FA9]  }
0x2d: {  	s3 =	simm.s32 $0x108;
	s8 =	sld [smem:$0x3FAA]  }
0x2e: {  	s3 =	simm.s32 @!p0 $0x1082;
	s9 =	sld [smem:$0x3FAB]  }
0x2f: {  	lr =	sadd.s32 s0, s3;
	s0 =	sld [smem:$0x3FA2]  }
0x30: {  	s3 =	sld [smem:$0x3FA5]  }
0x31: {  	[smem:$0x3FAE] =	sst s10  }
0x32: {  	s10 =	sld [smem:$0x3FAC];
	_ =	sdelay $0x3  }
0x33: {  	p0 =	seq.s32 s10, $0x1;
	s10 =	sld [smem:$0x3FAE];
	_ =	sdelay $0x3  }
0x34: {  	[smem:$0x3FAE] =	sst s10  }
0x35: {  	s10 =	sld [smem:$0x3FAD];
	_ =	sdelay $0x3  }
0x36: {  	p1 =	seq.s32 s10, $0x1;
	s10 =	sld [smem:$0x3FAE];
	_ =	sdelay $0x3  }
0x37: {  	[smem:$0x3FAE] =	sst s10  }
0x38: {  	s10 =	sld [smem:$0x3FAF]  }
0x39: {  	_ = 	snop;
	(pc) =	sbr.ind lr, $3  }
0x3a: {  	_ = 	snop  }
0x3b: {  	_ = 	snop  }
0x3c: {  	p2 =	seq.s32 s10, $0x1;
	s10 =	sld [smem:$0x3FAE]  }
0x3d: {  	_ =	shalt  }
0x3e: {  	_ =	shalt  }
0x3f: {  	_ =	shalt  }
0x40: {  	_ =	shalt  }
0x41: {  	_ =	shalt  }
0x42: {  	_ =	shalt  }
0x43: {  	_ =	shalt  }
0x44: {  	_ =	shalt  }
0x45: {  	_ =	shalt  }
0x46: {  	_ =	shalt  }
0x47: {  	_ =	shalt  }
0x48: {  	_ =	shalt  }
0x49: {  	_ =	shalt  }
0x4a: {  	_ =	shalt  }
0x4b: {  	_ =	shalt  }
0x4c: {  	_ =	shalt  }
0x4d: {  	_ =	shalt  }
0x4e: {  	_ =	shalt  }
0x4f: {  	_ =	shalt  }
0x50: {  	_ =	shalt  }
0x51: {  	_ =	shalt  }
0x52: {  	_ =	shalt  }
0x53: {  	_ =	shalt  }
0x54: {  	_ =	shalt  }
0x55: {  	_ =	shalt  }
0x56: {  	_ =	shalt  }
0x57: {  	_ =	shalt  }
0x58: {  	_ =	shalt  }
0x59: {  	_ =	shalt  }
0x5a: {  	_ =	shalt  }
0x5b: {  	_ =	shalt  }
0x5c: {  	_ =	shalt  }
0x5d: {  	_ =	shalt  }
0x5e: {  	_ =	shalt  }
0x5f: {  	_ =	shalt  }
0x60: {  	_ =	shalt  }
0x61: {  	_ =	shalt  }
0x62: {  	_ =	shalt  }
0x63: {  	_ =	shalt  }
0x64: {  	_ =	shalt  }
0x65: {  	_ =	shalt  }
0x66: {  	_ =	shalt  }
0x67: {  	_ =	shalt  }
0x68: {  	_ =	shalt  }
0x69: {  	_ =	shalt  }
0x6a: {  	_ =	shalt  }
0x6b: {  	_ =	shalt  }
0x6c: {  	_ =	shalt  }
0x6d: {  	_ =	shalt  }
0x6e: {  	_ =	shalt  }
0x6f: {  	_ =	shalt  }
0x70: {  	_ =	shalt  }
0x71: {  	_ =	shalt  }
0x72: {  	_ =	shalt  }
0x73: {  	_ =	shalt  }
0x74: {  	_ =	shalt  }
0x75: {  	_ =	shalt  }
0x76: {  	_ =	shalt  }
0x77: {  	_ =	shalt  }
0x78: {  	_ =	shalt  }
0x79: {  	_ =	shalt  }
0x7a: {  	_ =	shalt  }
0x7b: {  	_ =	shalt  }
0x7c: {  	_ =	shalt  }
0x7d: {  	_ =	shalt  }
0x7e: {  	_ =	shalt  }
0x7f: {  	_ =	shalt  }
0x80: {  	_ =	shalt  }
0x81: {  	_ =	shalt  }
0x82: {  	_ =	shalt  }
0x83: {  	_ =	shalt  }
0x84: {  	_ =	shalt  }
0x85: {  	_ =	shalt  }
0x86: {  	_ =	shalt  }
0x87: {  	_ =	shalt  }
.Lfunc_end0:
.L_simem_size_0:
called_computation_lowered:
.L_overlay_start_0:
0x88: {  	s2 =	sld [smem:$0x3FD9]  }
0x89: {  	s3 =	sld [smem:$0x3FFE];
	_ =	sdelay $0x1  }
0x8a: {  	s1 =	srdreg.scid  }
0x8b: {  	s0 =	sand.u32 $0x1, s1  }
0x8c: {  	s16 =	sshll.u32 s0, $0xA;
	s2 =	sadd.s32 s3, s2  }
0x8d: {  	s2 =	sadd.s32 s2, s16  }
0x8e: {  	[smem:$0x3FBA] =	sst s2  }
0x8f: {  	_ = 	snop  }
0x90: {  	(tm) =	ssettm $0x1  }
0x91: {  	s17 =	sld [smem:$0x3FFB];
	_ =	sdelay $0x3  }
0x92: {  	_ =	strace s17  }
0x93: {  	s2 =	sld [smem:$0x3FFC];
	_ =	sdelay $0x3  }
0x94: {  	_ =	strace s2  }
0x95: {  	s2 =	sld [smem:$0x3FFD];
	_ =	sdelay $0x3  }
0x96: {  	_ =	strace s2  }
0x97: {  	_ =	strace $0x8FFFFFFF  }
0x98: {  	s18 =	sld [smem:$0x3FDB];
	_ =	sdelay $0x1  }
0x99: {  	s19 =	simm.s32 $_scs_section_size  }
0x9a: {  	s4 =	simm.s32 $_size__tile_overlayer_lowered;
	s5 =	simm.s32 $_tile_overlayer_lowered  }
0x9b: {  	s22 =	simm.s32 $0x1BFF;
	s21 =	sshll.u32 s5, $0x1;
	s2 =	sadd.s32 s19, s18  }
0x9c: {  	s6 =	simm.s32 $0x0;
	s20 =	sshll.u32 s4, $0x1;
	s4 =	sadd.s32 s21, s2  }
0x9d: {  	[timem:s6], [sflag:s22] =	dma.local [hbm:s4], s20  }
0x9e: {  	_ =	swait.ge [sflag:s22], s20  }
0x9f: {  	s3 =	ssub.s32 $0x0, s20;
	[sflag:s22] =	ssyncset.done $0x0  }
0xa0: {  	[sflag:s22] =	ssyncadd.s32 s3;
	_ =	sdelay $0x1  }
0xa1: {  	s23 =	simm.s32 $0x1B8B  }
0xa2: {  	_ =	swait.ge [sflag:s23], $0x1  }
0xa3: {  	[sflag:s23] =	ssyncset.done $0x0  }
0xa4: {  	s25 =	simm.s32 $0x1B8E;
	s24 =	sld [smem:$0x3FFE];
	[sflag:s23] =	ssyncadd.s32 $0xFFFFFFFF  }
0xa5: {  	s26 =	simm.s32 $execute0_lowered;
	[smem:$0x3FD2] =	sst s25  }
0xa6: {  	s4 =	sshll.u32 s26, $0x1;
	_ =	strace $0x80000046;
	[dreg:$0x1] =	wrdreg $0xFFFFFFFF  }
0xa7: {  	s28 =	simm.s32 $_size_execute0_lowered;
	s2 =	sadd.s32 s2, s4;
	[dreg:$0x0] =	wrdreg $0x0  }
0xa8: {  	s4 =	sshll.u32 s28, $0x1;
	[dreg:$0x2] =	wrdreg s2  }
0xa9: {  	[dreg:$0x3] =	wrdreg s4  }
0xaa: {  	[dreg:$0x4] =	wrdreg $0xC0  }
0xab: {  	_ =	task [dreg:s6], $0x5FFFF  }
0xac: {  	[dreg:$0x1] =	wrdreg $0xFFFFFFFF  }
0xad: {  	[dreg:$0x0] =	wrdreg $0x60  }
0xae: {  	[dreg:$0x2] =	wrdreg s24  }
0xaf: {  	[dreg:$0x3] =	wrdreg $0x9  }
0xb0: {  	_ =	task.clear_ibuf [dreg:s6], $0x4FFFF;
	_ =	strace $0x90000046  }
0xb1: {  	s29 =	simm.s32 $0x9;
	_ =	strace $0x80000048  }
0xb2: {  	_ =	swait.ge [sflag:s29], $0x1  }
0xb3: {  	[sflag:s29] =	ssyncadd.s32 $0xFFFFFFFF  }
0xb4: {  	_ =	strace $0x90000048  }
0xb5: {  	_ =	sfence  }
0xb6: {  	s30 =	sld [smem:$0x0];
	_ =	sdelay $0x2  }
0xb7: {  	s31 =	sshll.u32 s1, $0xD;
	s1 =	sshrl.u32 s1, $0x2  }
0xb8: {  	s3 =	sand.u32 $0x4000, s31;
	s1 =	sadd.s32 s1, s30  }
0xb9: {  	s0 =	sor.u32 s3, s0;
	s1 =	sshll.u32 s1, $0x11  }
0xba: {  	s0 =	sor.u32 s1, s0  }
0xbb: {  	s0 =	sadd.s32 $0x8F2B, s0  }
0xbc: {  	[sflag:s0] =	ssyncadd.remote.s32 $0x1  }
0xbd: {  	_ =	sfence.sel $0xFFFF  }
0xbe: {  	[dreg:$0x0] =	wrdreg $0xFFFFFFFF;
	(pc) =	sbr.abs _section_cstart, $3  }
0xbf: {  	[dreg:$0x1] =	wrdreg $0xFFFFFFFF  }
0xc0: {  	_ =	task.clear_ibuf [dreg:s6], $0x2FFFF;
	_ =	strace $0x9FFFFFFF  }
0xc1: {  	(tm) =	ssettm $0x7FFFFFFF  }
tec
execute0_lowered:
.L_overlay_start_1:
0x0: {  	(tag) =	ssettag $0x1  }
0x1: {  	s1 =	srdreg.scid  }
0x2: {  	s0 =	stileid.u32;
	s5 =	rddreg [dreg:$0x0];
	s2 =	simm.s32 $0x0  }
0x3: {  	s7 =	simm.s32 $0xF4240;
	s3 =	sand.u32 $0x1, s1;
	s4 =	smul.u32 $0xF000, s0  }
0x4: {  	s8 =	simm.s32 $0xA000;
	s9 =	simm.s32 $0x1;
	s6 =	smul.u32 $0x7800, s3  }
0x5: {  	s10 =	simm.s32 $0x2;
	s11 =	simm.s32 $0x0;
	s1 =	rddreg [dreg:$0x1]  }
0x6: {  	[smem:$0x7FF] =	sst s2;
	s3 =	ssub.s32 $0x2, s3;
	s4 =	sadd.s32 s6, s4  }
0x7: {  	_ =	strace $0x80000047;
	s31 =	sshrl.u32 s3, $0x1;
	s4 =	sshrl.u32 s4, $0x3  }
0x8: {  	s3 =	ssub.s32 s3, s31;
	s6 =	simm.s32 $0x280;
	s5 =	sadd.s32 s4, s5  }
0x9: {  	s3 =	smax.u32 s3, $0x1;
	s4 =	sadd.s32 $0x1600, s5;
	s5 =	sadd.s32 $0x7A2800, s5  }
.LBB2_1:
0xa: {  	s12 =	sadd.s32 $0x0, s5  }
0xb: {  	[tilespmem:s2], [sflag:$0x1] =	stream.strided.gather [hbm4b:s12+s6], $0xA000, s7, s6, $0x38;
	[tilespmem:$0x14000] =	vst v63  }
0xc: {  	s31 =	sadd.s32 $0x0, s4  }
0xd: {  	[tilespmem:s8], [sflag:$0x2] =	stream.strided.gather [hbm4b:s31+s6], $0xA000, s7, s6, $0x38;
	[tilespmem:$0x14000] =	vst v63  }
0xe: {  	_ =	swait.ge [sflag:s9], $0xA000  }
0xf: {  	[sflag:s9] =	ssyncset.done $0x0  }
0x10: {  	[sflag:s9] =	ssyncadd.s32 $0xFFFF6000  }
0x11: {  	_ =	swait.ge [sflag:s10], $0xA000  }
0x12: {  	s13 =	simm.s32 $0xA0;
	s12 =	simm.s32 $0x50;
	[sflag:s10] =	ssyncset.done $0x0  }
.LBB2_2:
0x13: {  	s14 =	sadd.s32 s12, s5  }
0x14: {  	[sflag:s10] =	ssyncadd.s32 $0xFFFF6000;
	s15 =	smov.u32 s13;
	s16 =	sadd.s32 $0x50, s13  }
0x15: {  	[tilespmem:s2], [sflag:$0x1] =	stream.strided.gather [hbm4b:s14+s6], $0xA000, s7, s6, $0x38;
	[tilespmem:$0x14000] =	vst v63  }
0x16: {  	p0 =	sne.s32 s13, $0xEB0;
	s13 =	sadd.s32 s12, s4;
	s12 =	smov.u32 s15  }
0x17: {  	[tilespmem:s8], [sflag:$0x2] =	stream.strided.gather [hbm4b:s13+s6], $0xA000, s7, s6, $0x38;
	[tilespmem:$0x14000] =	vst v63  }
.Ltmp0:
0x18: {  	_ =	swait.ge [sflag:s9], $0xA000;
	(pc) =	sbr.rel @p0 .LBB2_2-.Ltmp0, $4  }
0x19: {  	[sflag:s9] =	ssyncset.done $0x0  }
0x1a: {  	[sflag:s9] =	ssyncadd.s32 $0xFFFF6000  }
0x1b: {  	_ =	swait.ge [sflag:s10], $0xA000  }
0x1c: {  	s13 =	smov.u32 s16;
	[sflag:s10] =	ssyncset.done $0x0  }
0x1d: {  	s13 =	sadd.s32 s12, s5;
	[sflag:s10] =	ssyncadd.s32 $0xFFFF6000  }
0x1e: {  	[tilespmem:s2], [sflag:$0x1] =	stream.strided.gather [hbm4b:s13+s6], $0xA000, s7, s6, $0x38;
	[tilespmem:$0x14000] =	vst v63  }
0x1f: {  	s31 =	sadd.s32 s12, s4;
	s11 =	sadd.s32 $0x1, s11  }
0x20: {  	[tilespmem:s8], [sflag:$0x2] =	stream.strided.gather [hbm4b:s31+s6], $0xA000, s7, s6, $0x38;
	[tilespmem:$0x14000] =	vst v63  }
0x21: {  	p0 =	sne.s32 s11, s3;
	_ =	swait.ge [sflag:s9], $0xA000  }
.Ltmp1:
0x22: {  	[sflag:s9] =	ssyncset.done $0x0;
	(pc) =	sbr.rel @p0 .LBB2_1-.Ltmp1, $4  }
0x23: {  	[sflag:s9] =	ssyncadd.s32 $0xFFFF6000  }
0x24: {  	_ =	swait.ge [sflag:s10], $0xA000  }
0x25: {  	[sflag:s10] =	ssyncset.done $0x0  }
0x26: {  	[sflag:s10] =	ssyncadd.s32 $0xFFFF6000  }
0x27: {  	_ =	sfence.sel $0x180000  }
0x28: {  	[bflag:$0x0] =	sbarrier.arrive $0xFFFF  }
0x29: {  	p0 =	sne.s32 s0, $0x0;
	_ =	strace $0x90000047  }
0x2a: {  	s0 =	sadd.s32 @!p0 $0x100000, s1;
	[bflag:$0x2] =	sbarrier.arrive $0xFFFF  }
0x2b: {  	[sflag:s0] =	ssyncadd.tile.s32 @!p0 $0x1;
	_ =	shalt  }
.Lfunc_end2:
_tile_overlayer_lowered:
.L_overlay_start_2:
0x2c: {  	(tag) =	ssettag $0x2  }
0x2d: {  	s0 =	rddreg [dreg:$0x0];
	s2 =	stileid.u32  }
0x2e: {  	s1 =	rddreg [dreg:$0x1];
	p0 =	sne.s32 s2, $0x0  }
0x2f: {  	s3 =	rddreg [dreg:$0x2];
	[bflag:$0x3] =	sbarrier.arrive $0xFFFF;
	s2 =	simm.s32 @!p0 $0x1C03  }
0x30: {  	[timem:s3], [sflag:s2] =	dma.local @!p0 [hbm:s0], s1  }
0x31: {  	s0 =	simm.s32 @!p0 $0x3  }
0x32: {  	_ =	swait.ge @!p0 [sflag:s0], s1  }
0x33: {  	s1 =	ssub.s32 @!p0 $0x0, s1;
	[sflag:s0] =	ssyncset.done @!p0 $0x0  }
0x34: {  	[sflag:s0] =	ssyncadd.s32 @!p0 s1  }
0x35: {  	[bflag:$0x3] =	sbarrier.arrive $0xFFFF  }
0x36: {  	_ =	shalt  }

</sc_bundles>
